<compile_context>
chip_gen: v7x
topology: tpu7x:2x2x1
jax: 0.10.2.dev20260603
libtpu: 0.0.44.dev20260713+nightly
codegen_flags: <defaults>
</compile_context>

<pallas_src>
import functools

import jax
import jax.numpy as jnp
from jax import lax
from jax.experimental import pallas as pl
from jax.experimental.pallas import tpu as pltpu
from jax.experimental.pallas import tpu_sc as plsc

B, L, NL = 4096, 200, 4
D = 64
N = B * L
NC, NS = 2, 16
NW = NC * NS
NPW = N // NW
C = 128
NCH = NPW // C

_mesh = plsc.VectorSubcoreMesh(core_axis_name="c", subcore_axis_name="s")


@functools.partial(
    pl.kernel,
    out_type=jax.ShapeDtypeStruct((N, D), jnp.float32),
    mesh=_mesh,
    scratch_types=[
        pltpu.VMEM((NL, C), jnp.int32),
        pltpu.VMEM((NL, C, D), jnp.float32),
        pltpu.SemaphoreType.DMA,
    ],
    compiler_params=pltpu.CompilerParams(use_tc_tiling_on_sc=False),
)
def _poi_gather(idx_hbm, w0, w1, w2, w3, out_hbm, idx_v, rows_v, sem):
    wid = lax.axis_index("s") * NC + lax.axis_index("c")
    tables = (w0, w1, w2, w3)

    def chunk(g, carry):
        base = wid * NPW + g * C
        pltpu.sync_copy(idx_hbm.at[wid, g], idx_v)
        cps = [
            pltpu.async_copy(tables[k].at[idx_v.at[k]], rows_v.at[k], sem)
            for k in range(NL)
        ]
        for cp in cps:
            cp.wait()

        def row(r, carry2):
            for c4 in range(D // 16):
                s = pl.ds(c4 * 16, 16)
                v = ((rows_v[0, r, s] + rows_v[1, r, s])
                     + rows_v[2, r, s]) + rows_v[3, r, s]
                rows_v[0, r, s] = v * 0.25
            return carry2

        lax.fori_loop(0, C, row, 0)
        pltpu.sync_copy(rows_v.at[0], out_hbm.at[pl.ds(base, C), :])
        return carry

    lax.fori_loop(0, NCH, chunk, 0)


def kernel(poi_path, W0, W1, W2, W3):
    idx = poi_path.astype(jnp.int32).reshape(NW, NCH, C, NL)
    idx = idx.transpose(0, 1, 3, 2)
    out = _poi_gather(idx, W0, W1, W2, W3)
    return out.reshape(B, L, D)

# --- scband reference (transcript-rebuilt; emitter-appended) ---
"""Pipeline reference for scband-poiembedding-18322330485359 (READ-ONLY COPY).

The authoritative reference and input builder live on the scoring server;
editing this copy changes nothing except your own understanding.
"""

import jax, jax.numpy as jnp
import numpy as np

B, L, NLAYERS = 4096, 200, 4
VOCAB = 100000
DIM = 64

def _make_table(k):
    t = jax.random.normal(k, (VOCAB + 1, DIM), dtype=jnp.float32) * 0.02
    # padding_idx = VOCAB row is zeroed, matching nn.Embedding(padding_idx=layer_count)
    t = t.at[VOCAB].set(0.0)
    return t

def setup_inputs(seed: int = 0) -> dict:
    key = jax.random.key(seed)
    ks = jax.random.split(key, 5)
    poi_path = jax.random.randint(ks[0], (B, L, NLAYERS), 0, VOCAB)
    W0 = _make_table(ks[1])
    W1 = _make_table(ks[2])
    W2 = _make_table(ks[3])
    W3 = _make_table(ks[4])
    return {"poi_path": poi_path, "W0": W0, "W1": W1, "W2": W2, "W3": W3}

def reference(poi_path, W0, W1, W2, W3):
    # torch.chunk(poi_path, dim=-1, chunks=4) then squeeze(-1) -> per-level index tensors
    tables = (W0, W1, W2, W3)
    emb_result = None
    for i in range(NLAYERS):
        idx = poi_path[..., i]
        emb = jnp.take(tables[i], idx, axis=0)
        emb_result = emb if emb_result is None else emb_result + emb
    return emb_result / float(NLAYERS)

if __name__ == "__main__":
    import jax
    _d = setup_inputs()
    print(jax.jit(kernel)(*tuple(_d.values())))

</pallas_src>

<mosaic_0001>
#map = affine_map<(d0, d1) -> (0, 0, 0, 0)>
#map1 = affine_map<(d0, d1) -> (0, 0)>
module attributes {stable_mosaic.version = 14 : i64} {
  func.func @_poi_gather(%arg0: i32, %arg1: i32, %arg2: memref<32x200x4x128xi32, #tpu.memory_space<hbm>>, %arg3: memref<100001x64xf32, #tpu.memory_space<hbm>>, %arg4: memref<100001x64xf32, #tpu.memory_space<hbm>>, %arg5: memref<100001x64xf32, #tpu.memory_space<hbm>>, %arg6: memref<100001x64xf32, #tpu.memory_space<hbm>>, %arg7: memref<819200x64xf32, #tpu.memory_space<hbm>>, %arg8: memref<4x128xi32, #tpu.memory_space<vmem>>, %arg9: memref<4x128x64xf32, #tpu.memory_space<vmem>>, %arg10: memref<!tpu.dma_semaphore, #tpu.memory_space<semaphore_mem>>) attributes {dimension_semantics = [#tpu.dimension_semantics<core_parallel>, #tpu.dimension_semantics<subcore_parallel>], iteration_bounds = array<i64: 2, 16>, scalar_prefetch = 0 : i64, scratch_operands = 3 : i64, tpu.core_type = #tpu.core_type<sc_vector_subcore>, window_params = [{transform_indices = #map}, {transform_indices = #map1}, {transform_indices = #map1}, {transform_indices = #map1}, {transform_indices = #map1}, {transform_indices = #map1}]} {
    %mul3A = arith.constant 2 : i32
    %mul3A_0 = arith.muli %arg1, %mul3A : i32
    %add3A = arith.addi %mul3A_0, %arg0 : i32
    %scan3A = arith.constant 0 : i32
    %scan3A_1 = arith.constant 0 : i32
    %scan3A_2 = arith.constant 200 : i32
    %scan3A_3 = arith.addi %scan3A_1, %scan3A_2 : i32
    %scan3A_4 = arith.constant 1 : i32
    scf.for %scan3A_6 = %scan3A_1 to %scan3A_3 step %scan3A_4  : i32 {
      %mul3A_7 = arith.constant 25600 : i32
      %mul3A_8 = arith.muli %add3A, %mul3A_7 : i32
      %mul3A_9 = arith.constant 128 : i32
      %mul3A_10 = arith.muli %scan3A_6, %mul3A_9 : i32
      %add3A_11 = arith.addi %mul3A_8, %mul3A_10 : i32
      "tpu.region"() ({
        %run_scoped3A_112 = tpu.sem_alloc : memref<!tpu.dma_semaphore, #tpu.memory_space<semaphore_mem>>
        %dma_start3A_113 = arith.constant 0 : i32
        %dma_start3A_114 = arith.constant 0 : i32
        %dma_start3A_115 = tpu.memref_slice %arg2[%add3A, %scan3A_6, %dma_start3A_113, %dma_start3A_114] : memref<32x200x4x128xi32, #tpu.memory_space<hbm>> -> memref<1x1x4x128xi32, #tpu.memory_space<hbm>>
        %dma_start3A_116 = tpu.memref_squeeze %dma_start3A_115 : memref<1x1x4x128xi32, #tpu.memory_space<hbm>> -> memref<4x128xi32, #tpu.memory_space<hbm>>
        %dma_start3A_117 = arith.constant 0 : i32
        %dma_start3A_118 = arith.constant 0 : i32
        %dma_start3A_119 = tpu.memref_slice %arg2[%add3A, %scan3A_6, %dma_start3A_117, %dma_start3A_118] : memref<32x200x4x128xi32, #tpu.memory_space<hbm>> -> memref<1x1x4x128xi32, #tpu.memory_space<hbm>>
        %dma_start3A_120 = tpu.memref_squeeze %dma_start3A_119 : memref<1x1x4x128xi32, #tpu.memory_space<hbm>> -> memref<4x128xi32, #tpu.memory_space<hbm>>
        tpu.enqueue_dma source(%dma_start3A_120 : memref<4x128xi32, #tpu.memory_space<hbm>>) target(%arg8 : memref<4x128xi32, #tpu.memory_space<vmem>>) target_semaphore(%run_scoped3A_112 : memref<!tpu.dma_semaphore, #tpu.memory_space<semaphore_mem>>)
        %dma_wait3A_121 = arith.constant 0 : i32
        %dma_wait3A_122 = arith.constant 0 : i32
        %dma_wait3A_123 = tpu.memref_slice %arg2[%add3A, %scan3A_6, %dma_wait3A_121, %dma_wait3A_122] : memref<32x200x4x128xi32, #tpu.memory_space<hbm>> -> memref<1x1x4x128xi32, #tpu.memory_space<hbm>>
        %dma_wait3A_124 = tpu.memref_squeeze %dma_wait3A_123 : memref<1x1x4x128xi32, #tpu.memory_space<hbm>> -> memref<4x128xi32, #tpu.memory_space<hbm>>
        %dma_wait3A_125 = arith.constant 0 : i32
        %dma_wait3A_126 = arith.constant 0 : i32
        %dma_wait3A_127 = tpu.memref_slice %arg2[%add3A, %scan3A_6, %dma_wait3A_125, %dma_wait3A_126] : memref<32x200x4x128xi32, #tpu.memory_space<hbm>> -> memref<1x1x4x128xi32, #tpu.memory_space<hbm>>
        %dma_wait3A_128 = tpu.memref_squeeze %dma_wait3A_127 : memref<1x1x4x128xi32, #tpu.memory_space<hbm>> -> memref<4x128xi32, #tpu.memory_space<hbm>>
        tpu.wait_dma2 semaphore(%run_scoped3A_112 : memref<!tpu.dma_semaphore, #tpu.memory_space<semaphore_mem>>) src(%dma_wait3A_128 : memref<4x128xi32, #tpu.memory_space<hbm>>) dst(%arg8 : memref<4x128xi32, #tpu.memory_space<vmem>>)
        tpu.yield
      }) : () -> ()
      %dma_start3A = arith.constant 0 : i32
      %dma_start3A_12 = arith.constant 0 : i32
      %dma_start3A_13 = arith.constant 0 : i32
      %dma_start3A_14 = arith.constant 0 : i32
      %dma_start3A_15 = tpu.memref_slice %arg9[%dma_start3A_12, %dma_start3A_13, %dma_start3A_14] : memref<4x128x64xf32, #tpu.memory_space<vmem>> -> memref<1x128x64xf32, #tpu.memory_space<vmem>>
      %dma_start3A_16 = tpu.memref_squeeze %dma_start3A_15 : memref<1x128x64xf32, #tpu.memory_space<vmem>> -> memref<128x64xf32, #tpu.memory_space<vmem>>
      %dma_start3A_17 = arith.constant 0 : i32
      %dma_start3A_18 = tpu.memref_slice %arg8[%dma_start3A, %dma_start3A_17] : memref<4x128xi32, #tpu.memory_space<vmem>> -> memref<1x128xi32, #tpu.memory_space<vmem>>
      %dma_start3A_19 = tpu.memref_squeeze %dma_start3A_18 : memref<1x128xi32, #tpu.memory_space<vmem>> -> memref<128xi32, #tpu.memory_space<vmem>>
      %dma_start3A_20 = arith.constant 0 : i32
      %dma_start3A_21 = arith.constant 0 : i32
      %dma_start3A_22 = tpu.memref_slice %arg3[%dma_start3A_20, %dma_start3A_21] : memref<100001x64xf32, #tpu.memory_space<hbm>> -> memref<100001x64xf32, #tpu.memory_space<hbm>>
      tpu.enqueue_indirect_dma source(%dma_start3A_22 : memref<100001x64xf32, #tpu.memory_space<hbm>>) target(%dma_start3A_16 : memref<128x64xf32, #tpu.memory_space<vmem>>) offsets(%dma_start3A_19 : memref<128xi32, #tpu.memory_space<vmem>>) semaphore(%arg10 : memref<!tpu.dma_semaphore, #tpu.memory_space<semaphore_mem>>)
      %dma_start3A_23 = arith.constant 1 : i32
      %dma_start3A_24 = arith.constant 1 : i32
      %dma_start3A_25 = arith.constant 0 : i32
      %dma_start3A_26 = arith.constant 0 : i32
      %dma_start3A_27 = tpu.memref_slice %arg9[%dma_start3A_24, %dma_start3A_25, %dma_start3A_26] : memref<4x128x64xf32, #tpu.memory_space<vmem>> -> memref<1x128x64xf32, #tpu.memory_space<vmem>>
      %dma_start3A_28 = tpu.memref_squeeze %dma_start3A_27 : memref<1x128x64xf32, #tpu.memory_space<vmem>> -> memref<128x64xf32, #tpu.memory_space<vmem>>
      %dma_start3A_29 = arith.constant 0 : i32
      %dma_start3A_30 = tpu.memref_slice %arg8[%dma_start3A_23, %dma_start3A_29] : memref<4x128xi32, #tpu.memory_space<vmem>> -> memref<1x128xi32, #tpu.memory_space<vmem>>
      %dma_start3A_31 = tpu.memref_squeeze %dma_start3A_30 : memref<1x128xi32, #tpu.memory_space<vmem>> -> memref<128xi32, #tpu.memory_space<vmem>>
      %dma_start3A_32 = arith.constant 0 : i32
      %dma_start3A_33 = arith.constant 0 : i32
      %dma_start3A_34 = tpu.memref_slice %arg4[%dma_start3A_32, %dma_start3A_33] : memref<100001x64xf32, #tpu.memory_space<hbm>> -> memref<100001x64xf32, #tpu.memory_space<hbm>>
      tpu.enqueue_indirect_dma source(%dma_start3A_34 : memref<100001x64xf32, #tpu.memory_space<hbm>>) target(%dma_start3A_28 : memref<128x64xf32, #tpu.memory_space<vmem>>) offsets(%dma_start3A_31 : memref<128xi32, #tpu.memory_space<vmem>>) semaphore(%arg10 : memref<!tpu.dma_semaphore, #tpu.memory_space<semaphore_mem>>)
      %dma_start3A_35 = arith.constant 2 : i32
      %dma_start3A_36 = arith.constant 2 : i32
      %dma_start3A_37 = arith.constant 0 : i32
      %dma_start3A_38 = arith.constant 0 : i32
      %dma_start3A_39 = tpu.memref_slice %arg9[%dma_start3A_36, %dma_start3A_37, %dma_start3A_38] : memref<4x128x64xf32, #tpu.memory_space<vmem>> -> memref<1x128x64xf32, #tpu.memory_space<vmem>>
      %dma_start3A_40 = tpu.memref_squeeze %dma_start3A_39 : memref<1x128x64xf32, #tpu.memory_space<vmem>> -> memref<128x64xf32, #tpu.memory_space<vmem>>
      %dma_start3A_41 = arith.constant 0 : i32
      %dma_start3A_42 = tpu.memref_slice %arg8[%dma_start3A_35, %dma_start3A_41] : memref<4x128xi32, #tpu.memory_space<vmem>> -> memref<1x128xi32, #tpu.memory_space<vmem>>
      %dma_start3A_43 = tpu.memref_squeeze %dma_start3A_42 : memref<1x128xi32, #tpu.memory_space<vmem>> -> memref<128xi32, #tpu.memory_space<vmem>>
      %dma_start3A_44 = arith.constant 0 : i32
      %dma_start3A_45 = arith.constant 0 : i32
      %dma_start3A_46 = tpu.memref_slice %arg5[%dma_start3A_44, %dma_start3A_45] : memref<100001x64xf32, #tpu.memory_space<hbm>> -> memref<100001x64xf32, #tpu.memory_space<hbm>>
      tpu.enqueue_indirect_dma source(%dma_start3A_46 : memref<100001x64xf32, #tpu.memory_space<hbm>>) target(%dma_start3A_40 : memref<128x64xf32, #tpu.memory_space<vmem>>) offsets(%dma_start3A_43 : memref<128xi32, #tpu.memory_space<vmem>>) semaphore(%arg10 : memref<!tpu.dma_semaphore, #tpu.memory_space<semaphore_mem>>)
      %dma_start3A_47 = arith.constant 3 : i32
      %dma_start3A_48 = arith.constant 3 : i32
      %dma_start3A_49 = arith.constant 0 : i32
      %dma_start3A_50 = arith.constant 0 : i32
      %dma_start3A_51 = tpu.memref_slice %arg9[%dma_start3A_48, %dma_start3A_49, %dma_start3A_50] : memref<4x128x64xf32, #tpu.memory_space<vmem>> -> memref<1x128x64xf32, #tpu.memory_space<vmem>>
      %dma_start3A_52 = tpu.memref_squeeze %dma_start3A_51 : memref<1x128x64xf32, #tpu.memory_space<vmem>> -> memref<128x64xf32, #tpu.memory_space<vmem>>
      %dma_start3A_53 = arith.constant 0 : i32
      %dma_start3A_54 = tpu.memref_slice %arg8[%dma_start3A_47, %dma_start3A_53] : memref<4x128xi32, #tpu.memory_space<vmem>> -> memref<1x128xi32, #tpu.memory_space<vmem>>
      %dma_start3A_55 = tpu.memref_squeeze %dma_start3A_54 : memref<1x128xi32, #tpu.memory_space<vmem>> -> memref<128xi32, #tpu.memory_space<vmem>>
      %dma_start3A_56 = arith.constant 0 : i32
      %dma_start3A_57 = arith.constant 0 : i32
      %dma_start3A_58 = tpu.memref_slice %arg6[%dma_start3A_56, %dma_start3A_57] : memref<100001x64xf32, #tpu.memory_space<hbm>> -> memref<100001x64xf32, #tpu.memory_space<hbm>>
      tpu.enqueue_indirect_dma source(%dma_start3A_58 : memref<100001x64xf32, #tpu.memory_space<hbm>>) target(%dma_start3A_52 : memref<128x64xf32, #tpu.memory_space<vmem>>) offsets(%dma_start3A_55 : memref<128xi32, #tpu.memory_space<vmem>>) semaphore(%arg10 : memref<!tpu.dma_semaphore, #tpu.memory_space<semaphore_mem>>)
      %dma_wait3A = arith.constant 0 : i32
      %dma_wait3A_59 = arith.constant 0 : i32
      %dma_wait3A_60 = arith.constant 0 : i32
      %dma_wait3A_61 = arith.constant 0 : i32
      %dma_wait3A_62 = tpu.memref_slice %arg9[%dma_wait3A_59, %dma_wait3A_60, %dma_wait3A_61] : memref<4x128x64xf32, #tpu.memory_space<vmem>> -> memref<1x128x64xf32, #tpu.memory_space<vmem>>
      %dma_wait3A_63 = tpu.memref_squeeze %dma_wait3A_62 : memref<1x128x64xf32, #tpu.memory_space<vmem>> -> memref<128x64xf32, #tpu.memory_space<vmem>>
      %dma_wait3A_64 = arith.constant 0 : i32
      %dma_wait3A_65 = tpu.memref_slice %arg8[%dma_wait3A, %dma_wait3A_64] : memref<4x128xi32, #tpu.memory_space<vmem>> -> memref<1x128xi32, #tpu.memory_space<vmem>>
      %dma_wait3A_66 = tpu.memref_squeeze %dma_wait3A_65 : memref<1x128xi32, #tpu.memory_space<vmem>> -> memref<128xi32, #tpu.memory_space<vmem>>
      %dma_wait3A_67 = arith.constant 0 : i32
      %dma_wait3A_68 = arith.constant 0 : i32
      %dma_wait3A_69 = tpu.memref_slice %arg3[%dma_wait3A_67, %dma_wait3A_68] : memref<100001x64xf32, #tpu.memory_space<hbm>> -> memref<100001x64xf32, #tpu.memory_space<hbm>>
      tpu.wait_indirect_dma semaphore(%arg10 : memref<!tpu.dma_semaphore, #tpu.memory_space<semaphore_mem>>) src(%dma_wait3A_69 : memref<100001x64xf32, #tpu.memory_space<hbm>>) dst(%dma_wait3A_63 : memref<128x64xf32, #tpu.memory_space<vmem>>)
      %dma_wait3A_70 = arith.constant 1 : i32
      %dma_wait3A_71 = arith.constant 1 : i32
      %dma_wait3A_72 = arith.constant 0 : i32
      %dma_wait3A_73 = arith.constant 0 : i32
      %dma_wait3A_74 = tpu.memref_slice %arg9[%dma_wait3A_71, %dma_wait3A_72, %dma_wait3A_73] : memref<4x128x64xf32, #tpu.memory_space<vmem>> -> memref<1x128x64xf32, #tpu.memory_space<vmem>>
      %dma_wait3A_75 = tpu.memref_squeeze %dma_wait3A_74 : memref<1x128x64xf32, #tpu.memory_space<vmem>> -> memref<128x64xf32, #tpu.memory_space<vmem>>
      %dma_wait3A_76 = arith.constant 0 : i32
      %dma_wait3A_77 = tpu.memref_slice %arg8[%dma_wait3A_70, %dma_wait3A_76] : memref<4x128xi32, #tpu.memory_space<vmem>> -> memref<1x128xi32, #tpu.memory_space<vmem>>
      %dma_wait3A_78 = tpu.memref_squeeze %dma_wait3A_77 : memref<1x128xi32, #tpu.memory_space<vmem>> -> memref<128xi32, #tpu.memory_space<vmem>>
      %dma_wait3A_79 = arith.constant 0 : i32
      %dma_wait3A_80 = arith.constant 0 : i32
      %dma_wait3A_81 = tpu.memref_slice %arg4[%dma_wait3A_79, %dma_wait3A_80] : memref<100001x64xf32, #tpu.memory_space<hbm>> -> memref<100001x64xf32, #tpu.memory_space<hbm>>
      tpu.wait_indirect_dma semaphore(%arg10 : memref<!tpu.dma_semaphore, #tpu.memory_space<semaphore_mem>>) src(%dma_wait3A_81 : memref<100001x64xf32, #tpu.memory_space<hbm>>) dst(%dma_wait3A_75 : memref<128x64xf32, #tpu.memory_space<vmem>>)
      %dma_wait3A_82 = arith.constant 2 : i32
      %dma_wait3A_83 = arith.constant 2 : i32
      %dma_wait3A_84 = arith.constant 0 : i32
      %dma_wait3A_85 = arith.constant 0 : i32
      %dma_wait3A_86 = tpu.memref_slice %arg9[%dma_wait3A_83, %dma_wait3A_84, %dma_wait3A_85] : memref<4x128x64xf32, #tpu.memory_space<vmem>> -> memref<1x128x64xf32, #tpu.memory_space<vmem>>
      %dma_wait3A_87 = tpu.memref_squeeze %dma_wait3A_86 : memref<1x128x64xf32, #tpu.memory_space<vmem>> -> memref<128x64xf32, #tpu.memory_space<vmem>>
      %dma_wait3A_88 = arith.constant 0 : i32
      %dma_wait3A_89 = tpu.memref_slice %arg8[%dma_wait3A_82, %dma_wait3A_88] : memref<4x128xi32, #tpu.memory_space<vmem>> -> memref<1x128xi32, #tpu.memory_space<vmem>>
      %dma_wait3A_90 = tpu.memref_squeeze %dma_wait3A_89 : memref<1x128xi32, #tpu.memory_space<vmem>> -> memref<128xi32, #tpu.memory_space<vmem>>
      %dma_wait3A_91 = arith.constant 0 : i32
      %dma_wait3A_92 = arith.constant 0 : i32
      %dma_wait3A_93 = tpu.memref_slice %arg5[%dma_wait3A_91, %dma_wait3A_92] : memref<100001x64xf32, #tpu.memory_space<hbm>> -> memref<100001x64xf32, #tpu.memory_space<hbm>>
      tpu.wait_indirect_dma semaphore(%arg10 : memref<!tpu.dma_semaphore, #tpu.memory_space<semaphore_mem>>) src(%dma_wait3A_93 : memref<100001x64xf32, #tpu.memory_space<hbm>>) dst(%dma_wait3A_87 : memref<128x64xf32, #tpu.memory_space<vmem>>)
      %dma_wait3A_94 = arith.constant 3 : i32
      %dma_wait3A_95 = arith.constant 3 : i32
      %dma_wait3A_96 = arith.constant 0 : i32
      %dma_wait3A_97 = arith.constant 0 : i32
      %dma_wait3A_98 = tpu.memref_slice %arg9[%dma_wait3A_95, %dma_wait3A_96, %dma_wait3A_97] : memref<4x128x64xf32, #tpu.memory_space<vmem>> -> memref<1x128x64xf32, #tpu.memory_space<vmem>>
      %dma_wait3A_99 = tpu.memref_squeeze %dma_wait3A_98 : memref<1x128x64xf32, #tpu.memory_space<vmem>> -> memref<128x64xf32, #tpu.memory_space<vmem>>
      %dma_wait3A_100 = arith.constant 0 : i32
      %dma_wait3A_101 = tpu.memref_slice %arg8[%dma_wait3A_94, %dma_wait3A_100] : memref<4x128xi32, #tpu.memory_space<vmem>> -> memref<1x128xi32, #tpu.memory_space<vmem>>
      %dma_wait3A_102 = tpu.memref_squeeze %dma_wait3A_101 : memref<1x128xi32, #tpu.memory_space<vmem>> -> memref<128xi32, #tpu.memory_space<vmem>>
      %dma_wait3A_103 = arith.constant 0 : i32
      %dma_wait3A_104 = arith.constant 0 : i32
      %dma_wait3A_105 = tpu.memref_slice %arg6[%dma_wait3A_103, %dma_wait3A_104] : memref<100001x64xf32, #tpu.memory_space<hbm>> -> memref<100001x64xf32, #tpu.memory_space<hbm>>
      tpu.wait_indirect_dma semaphore(%arg10 : memref<!tpu.dma_semaphore, #tpu.memory_space<semaphore_mem>>) src(%dma_wait3A_105 : memref<100001x64xf32, #tpu.memory_space<hbm>>) dst(%dma_wait3A_99 : memref<128x64xf32, #tpu.memory_space<vmem>>)
      %scan3A_106 = arith.constant 0 : i32
      %scan3A_107 = arith.constant 0 : i32
      %scan3A_108 = arith.constant 128 : i32
      %scan3A_109 = arith.addi %scan3A_107, %scan3A_108 : i32
      %scan3A_110 = arith.constant 1 : i32
      scf.for %scan3A_112 = %scan3A_107 to %scan3A_109 step %scan3A_110  : i32 {
        %get3A = arith.constant 0 : i32
        %get3A_113 = arith.index_cast %get3A : i32 to index
        %get3A_114 = arith.index_cast %scan3A_112 : i32 to index
        %get3A_115 = arith.constant 0 : index
        %get3A_116 = tpu.vector_load %arg9[%get3A_113, %get3A_114, %get3A_115] {strides = array<i32>} : memref<4x128x64xf32, #tpu.memory_space<vmem>>, vector<1x1x16xf32>,
        %get3A_117 = vector.shape_cast %get3A_116 : vector<1x1x16xf32> to vector<16xf32>
        %get3A_118 = arith.constant 1 : i32
        %get3A_119 = arith.index_cast %get3A_118 : i32 to index
        %get3A_120 = arith.index_cast %scan3A_112 : i32 to index
        %get3A_121 = arith.constant 0 : index
        %get3A_122 = tpu.vector_load %arg9[%get3A_119, %get3A_120, %get3A_121] {strides = array<i32>} : memref<4x128x64xf32, #tpu.memory_space<vmem>>, vector<1x1x16xf32>,
        %get3A_123 = vector.shape_cast %get3A_122 : vector<1x1x16xf32> to vector<16xf32>
        %add3A_124 = arith.addf %get3A_117, %get3A_123 : vector<16xf32>
        %get3A_125 = arith.constant 2 : i32
        %get3A_126 = arith.index_cast %get3A_125 : i32 to index
        %get3A_127 = arith.index_cast %scan3A_112 : i32 to index
        %get3A_128 = arith.constant 0 : index
        %get3A_129 = tpu.vector_load %arg9[%get3A_126, %get3A_127, %get3A_128] {strides = array<i32>} : memref<4x128x64xf32, #tpu.memory_space<vmem>>, vector<1x1x16xf32>,
        %get3A_130 = vector.shape_cast %get3A_129 : vector<1x1x16xf32> to vector<16xf32>
        %add3A_131 = arith.addf %add3A_124, %get3A_130 : vector<16xf32>
        %get3A_132 = arith.constant 3 : i32
        %get3A_133 = arith.index_cast %get3A_132 : i32 to index
        %get3A_134 = arith.index_cast %scan3A_112 : i32 to index
        %get3A_135 = arith.constant 0 : index
        %get3A_136 = tpu.vector_load %arg9[%get3A_133, %get3A_134, %get3A_135] {strides = array<i32>} : memref<4x128x64xf32, #tpu.memory_space<vmem>>, vector<1x1x16xf32>,
        %get3A_137 = vector.shape_cast %get3A_136 : vector<1x1x16xf32> to vector<16xf32>
        %add3A_138 = arith.addf %add3A_131, %get3A_137 : vector<16xf32>
        %mul3A_139 = arith.constant 2.500000e-01 : f32
        %mul3A_140 = vector.broadcast %mul3A_139 : f32 to vector<16xf32>
        %mul3A_141 = arith.mulf %add3A_138, %mul3A_140 : vector<16xf32>
        %swap3A = arith.constant 0 : i32
        %swap3A_142 = arith.index_cast %swap3A : i32 to index
        %swap3A_143 = arith.index_cast %scan3A_112 : i32 to index
        %swap3A_144 = arith.constant 0 : index
        %swap3A_145 = tpu.vector_load %arg9[%swap3A_142, %swap3A_143, %swap3A_144] {strides = array<i32>} : memref<4x128x64xf32, #tpu.memory_space<vmem>>, vector<1x1x16xf32>,
        %swap3A_146 = vector.shape_cast %swap3A_145 : vector<1x1x16xf32> to vector<16xf32>
        %swap3A_147 = vector.shape_cast %mul3A_141 : vector<16xf32> to vector<1x1x16xf32>
        tpu.vector_store %arg9[%swap3A_142, %swap3A_143, %swap3A_144], %swap3A_147 {strides = array<i32>} : memref<4x128x64xf32, #tpu.memory_space<vmem>>, vector<1x1x16xf32>,
        %get3A_148 = arith.constant 0 : i32
        %get3A_149 = arith.index_cast %get3A_148 : i32 to index
        %get3A_150 = arith.index_cast %scan3A_112 : i32 to index
        %get3A_151 = arith.constant 16 : index
        %get3A_152 = tpu.vector_load %arg9[%get3A_149, %get3A_150, %get3A_151] {strides = array<i32>} : memref<4x128x64xf32, #tpu.memory_space<vmem>>, vector<1x1x16xf32>,
        %get3A_153 = vector.shape_cast %get3A_152 : vector<1x1x16xf32> to vector<16xf32>
        %get3A_154 = arith.constant 1 : i32
        %get3A_155 = arith.index_cast %get3A_154 : i32 to index
        %get3A_156 = arith.index_cast %scan3A_112 : i32 to index
        %get3A_157 = arith.constant 16 : index
        %get3A_158 = tpu.vector_load %arg9[%get3A_155, %get3A_156, %get3A_157] {strides = array<i32>} : memref<4x128x64xf32, #tpu.memory_space<vmem>>, vector<1x1x16xf32>,
        %get3A_159 = vector.shape_cast %get3A_158 : vector<1x1x16xf32> to vector<16xf32>
        %add3A_160 = arith.addf %get3A_153, %get3A_159 : vector<16xf32>
        %get3A_161 = arith.constant 2 : i32
        %get3A_162 = arith.index_cast %get3A_161 : i32 to index
        %get3A_163 = arith.index_cast %scan3A_112 : i32 to index
        %get3A_164 = arith.constant 16 : index
        %get3A_165 = tpu.vector_load %arg9[%get3A_162, %get3A_163, %get3A_164] {strides = array<i32>} : memref<4x128x64xf32, #tpu.memory_space<vmem>>, vector<1x1x16xf32>,
        %get3A_166 = vector.shape_cast %get3A_165 : vector<1x1x16xf32> to vector<16xf32>
        %add3A_167 = arith.addf %add3A_160, %get3A_166 : vector<16xf32>
        %get3A_168 = arith.constant 3 : i32
        %get3A_169 = arith.index_cast %get3A_168 : i32 to index
        %get3A_170 = arith.index_cast %scan3A_112 : i32 to index
        %get3A_171 = arith.constant 16 : index
        %get3A_172 = tpu.vector_load %arg9[%get3A_169, %get3A_170, %get3A_171] {strides = array<i32>} : memref<4x128x64xf32, #tpu.memory_space<vmem>>, vector<1x1x16xf32>,
        %get3A_173 = vector.shape_cast %get3A_172 : vector<1x1x16xf32> to vector<16xf32>
        %add3A_174 = arith.addf %add3A_167, %get3A_173 : vector<16xf32>
        %mul3A_175 = arith.constant 2.500000e-01 : f32
        %mul3A_176 = vector.broadcast %mul3A_175 : f32 to vector<16xf32>
        %mul3A_177 = arith.mulf %add3A_174, %mul3A_176 : vector<16xf32>
        %swap3A_178 = arith.constant 0 : i32
        %swap3A_179 = arith.index_cast %swap3A_178 : i32 to index
        %swap3A_180 = arith.index_cast %scan3A_112 : i32 to index
        %swap3A_181 = arith.constant 16 : index
        %swap3A_182 = tpu.vector_load %arg9[%swap3A_179, %swap3A_180, %swap3A_181] {strides = array<i32>} : memref<4x128x64xf32, #tpu.memory_space<vmem>>, vector<1x1x16xf32>,
        %swap3A_183 = vector.shape_cast %swap3A_182 : vector<1x1x16xf32> to vector<16xf32>
        %swap3A_184 = vector.shape_cast %mul3A_177 : vector<16xf32> to vector<1x1x16xf32>
        tpu.vector_store %arg9[%swap3A_179, %swap3A_180, %swap3A_181], %swap3A_184 {strides = array<i32>} : memref<4x128x64xf32, #tpu.memory_space<vmem>>, vector<1x1x16xf32>,
        %get3A_185 = arith.constant 0 : i32
        %get3A_186 = arith.index_cast %get3A_185 : i32 to index
        %get3A_187 = arith.index_cast %scan3A_112 : i32 to index
        %get3A_188 = arith.constant 32 : index
        %get3A_189 = tpu.vector_load %arg9[%get3A_186, %get3A_187, %get3A_188] {strides = array<i32>} : memref<4x128x64xf32, #tpu.memory_space<vmem>>, vector<1x1x16xf32>,
        %get3A_190 = vector.shape_cast %get3A_189 : vector<1x1x16xf32> to vector<16xf32>
        %get3A_191 = arith.constant 1 : i32
        %get3A_192 = arith.index_cast %get3A_191 : i32 to index
        %get3A_193 = arith.index_cast %scan3A_112 : i32 to index
        %get3A_194 = arith.constant 32 : index
        %get3A_195 = tpu.vector_load %arg9[%get3A_192, %get3A_193, %get3A_194] {strides = array<i32>} : memref<4x128x64xf32, #tpu.memory_space<vmem>>, vector<1x1x16xf32>,
        %get3A_196 = vector.shape_cast %get3A_195 : vector<1x1x16xf32> to vector<16xf32>
        %add3A_197 = arith.addf %get3A_190, %get3A_196 : vector<16xf32>
        %get3A_198 = arith.constant 2 : i32
        %get3A_199 = arith.index_cast %get3A_198 : i32 to index
        %get3A_200 = arith.index_cast %scan3A_112 : i32 to index
        %get3A_201 = arith.constant 32 : index
        %get3A_202 = tpu.vector_load %arg9[%get3A_199, %get3A_200, %get3A_201] {strides = array<i32>} : memref<4x128x64xf32, #tpu.memory_space<vmem>>, vector<1x1x16xf32>,
        %get3A_203 = vector.shape_cast %get3A_202 : vector<1x1x16xf32> to vector<16xf32>
        %add3A_204 = arith.addf %add3A_197, %get3A_203 : vector<16xf32>
        %get3A_205 = arith.constant 3 : i32
        %get3A_206 = arith.index_cast %get3A_205 : i32 to index
        %get3A_207 = arith.index_cast %scan3A_112 : i32 to index
        %get3A_208 = arith.constant 32 : index
        %get3A_209 = tpu.vector_load %arg9[%get3A_206, %get3A_207, %get3A_208] {strides = array<i32>} : memref<4x128x64xf32, #tpu.memory_space<vmem>>, vector<1x1x16xf32>,
        %get3A_210 = vector.shape_cast %get3A_209 : vector<1x1x16xf32> to vector<16xf32>
        %add3A_211 = arith.addf %add3A_204, %get3A_210 : vector<16xf32>
        %mul3A_212 = arith.constant 2.500000e-01 : f32
        %mul3A_213 = vector.broadcast %mul3A_212 : f32 to vector<16xf32>
        %mul3A_214 = arith.mulf %add3A_211, %mul3A_213 : vector<16xf32>
        %swap3A_215 = arith.constant 0 : i32
        %swap3A_216 = arith.index_cast %swap3A_215 : i32 to index
        %swap3A_217 = arith.index_cast %scan3A_112 : i32 to index
        %swap3A_218 = arith.constant 32 : index
        %swap3A_219 = tpu.vector_load %arg9[%swap3A_216, %swap3A_217, %swap3A_218] {strides = array<i32>} : memref<4x128x64xf32, #tpu.memory_space<vmem>>, vector<1x1x16xf32>,
        %swap3A_220 = vector.shape_cast %swap3A_219 : vector<1x1x16xf32> to vector<16xf32>
        %swap3A_221 = vector.shape_cast %mul3A_214 : vector<16xf32> to vector<1x1x16xf32>
        tpu.vector_store %arg9[%swap3A_216, %swap3A_217, %swap3A_218], %swap3A_221 {strides = array<i32>} : memref<4x128x64xf32, #tpu.memory_space<vmem>>, vector<1x1x16xf32>,
        %get3A_222 = arith.constant 0 : i32
        %get3A_223 = arith.index_cast %get3A_222 : i32 to index
        %get3A_224 = arith.index_cast %scan3A_112 : i32 to index
        %get3A_225 = arith.constant 48 : index
        %get3A_226 = tpu.vector_load %arg9[%get3A_223, %get3A_224, %get3A_225] {strides = array<i32>} : memref<4x128x64xf32, #tpu.memory_space<vmem>>, vector<1x1x16xf32>,
        %get3A_227 = vector.shape_cast %get3A_226 : vector<1x1x16xf32> to vector<16xf32>
        %get3A_228 = arith.constant 1 : i32
        %get3A_229 = arith.index_cast %get3A_228 : i32 to index
        %get3A_230 = arith.index_cast %scan3A_112 : i32 to index
        %get3A_231 = arith.constant 48 : index
        %get3A_232 = tpu.vector_load %arg9[%get3A_229, %get3A_230, %get3A_231] {strides = array<i32>} : memref<4x128x64xf32, #tpu.memory_space<vmem>>, vector<1x1x16xf32>,
        %get3A_233 = vector.shape_cast %get3A_232 : vector<1x1x16xf32> to vector<16xf32>
        %add3A_234 = arith.addf %get3A_227, %get3A_233 : vector<16xf32>
        %get3A_235 = arith.constant 2 : i32
        %get3A_236 = arith.index_cast %get3A_235 : i32 to index
        %get3A_237 = arith.index_cast %scan3A_112 : i32 to index
        %get3A_238 = arith.constant 48 : index
        %get3A_239 = tpu.vector_load %arg9[%get3A_236, %get3A_237, %get3A_238] {strides = array<i32>} : memref<4x128x64xf32, #tpu.memory_space<vmem>>, vector<1x1x16xf32>,
        %get3A_240 = vector.shape_cast %get3A_239 : vector<1x1x16xf32> to vector<16xf32>
        %add3A_241 = arith.addf %add3A_234, %get3A_240 : vector<16xf32>
        %get3A_242 = arith.constant 3 : i32
        %get3A_243 = arith.index_cast %get3A_242 : i32 to index
        %get3A_244 = arith.index_cast %scan3A_112 : i32 to index
        %get3A_245 = arith.constant 48 : index
        %get3A_246 = tpu.vector_load %arg9[%get3A_243, %get3A_244, %get3A_245] {strides = array<i32>} : memref<4x128x64xf32, #tpu.memory_space<vmem>>, vector<1x1x16xf32>,
        %get3A_247 = vector.shape_cast %get3A_246 : vector<1x1x16xf32> to vector<16xf32>
        %add3A_248 = arith.addf %add3A_241, %get3A_247 : vector<16xf32>
        %mul3A_249 = arith.constant 2.500000e-01 : f32
        %mul3A_250 = vector.broadcast %mul3A_249 : f32 to vector<16xf32>
        %mul3A_251 = arith.mulf %add3A_248, %mul3A_250 : vector<16xf32>
        %swap3A_252 = arith.constant 0 : i32
        %swap3A_253 = arith.index_cast %swap3A_252 : i32 to index
        %swap3A_254 = arith.index_cast %scan3A_112 : i32 to index
        %swap3A_255 = arith.constant 48 : index
        %swap3A_256 = tpu.vector_load %arg9[%swap3A_253, %swap3A_254, %swap3A_255] {strides = array<i32>} : memref<4x128x64xf32, #tpu.memory_space<vmem>>, vector<1x1x16xf32>,
        %swap3A_257 = vector.shape_cast %swap3A_256 : vector<1x1x16xf32> to vector<16xf32>
        %swap3A_258 = vector.shape_cast %mul3A_251 : vector<16xf32> to vector<1x1x16xf32>
        tpu.vector_store %arg9[%swap3A_253, %swap3A_254, %swap3A_255], %swap3A_258 {strides = array<i32>} : memref<4x128x64xf32, #tpu.memory_space<vmem>>, vector<1x1x16xf32>,
      }
      %scan3A_111 = arith.constant 128 : i32
      %run_scoped3A = arith.constant 0 : i32
      "tpu.region"() ({
        %run_scoped3A_112 = tpu.sem_alloc : memref<!tpu.dma_semaphore, #tpu.memory_space<semaphore_mem>>
        %dma_start3A_113 = arith.constant 0 : i32
        %dma_start3A_114 = arith.constant 0 : i32
        %dma_start3A_115 = tpu.memref_slice %arg9[%run_scoped3A, %dma_start3A_113, %dma_start3A_114] : memref<4x128x64xf32, #tpu.memory_space<vmem>> -> memref<1x128x64xf32, #tpu.memory_space<vmem>>
        %dma_start3A_116 = tpu.memref_squeeze %dma_start3A_115 : memref<1x128x64xf32, #tpu.memory_space<vmem>> -> memref<128x64xf32, #tpu.memory_space<vmem>>
        %dma_start3A_117 = arith.constant 0 : i32
        %dma_start3A_118 = tpu.memref_slice %arg7[%add3A_11, %dma_start3A_117] : memref<819200x64xf32, #tpu.memory_space<hbm>> -> memref<128x64xf32, #tpu.memory_space<hbm>>
        %dma_start3A_119 = arith.constant 0 : i32
        %dma_start3A_120 = tpu.memref_slice %arg7[%add3A_11, %dma_start3A_119] : memref<819200x64xf32, #tpu.memory_space<hbm>> -> memref<128x64xf32, #tpu.memory_space<hbm>>
        %dma_start3A_121 = arith.constant 0 : i32
        %dma_start3A_122 = arith.constant 0 : i32
        %dma_start3A_123 = tpu.memref_slice %arg9[%run_scoped3A, %dma_start3A_121, %dma_start3A_122] : memref<4x128x64xf32, #tpu.memory_space<vmem>> -> memref<1x128x64xf32, #tpu.memory_space<vmem>>
        %dma_start3A_124 = tpu.memref_squeeze %dma_start3A_123 : memref<1x128x64xf32, #tpu.memory_space<vmem>> -> memref<128x64xf32, #tpu.memory_space<vmem>>
        tpu.enqueue_dma source(%dma_start3A_124 : memref<128x64xf32, #tpu.memory_space<vmem>>) target(%dma_start3A_120 : memref<128x64xf32, #tpu.memory_space<hbm>>) target_semaphore(%run_scoped3A_112 : memref<!tpu.dma_semaphore, #tpu.memory_space<semaphore_mem>>)
        %dma_wait3A_125 = arith.constant 0 : i32
        %dma_wait3A_126 = arith.constant 0 : i32
        %dma_wait3A_127 = tpu.memref_slice %arg9[%run_scoped3A, %dma_wait3A_125, %dma_wait3A_126] : memref<4x128x64xf32, #tpu.memory_space<vmem>> -> memref<1x128x64xf32, #tpu.memory_space<vmem>>
        %dma_wait3A_128 = tpu.memref_squeeze %dma_wait3A_127 : memref<1x128x64xf32, #tpu.memory_space<vmem>> -> memref<128x64xf32, #tpu.memory_space<vmem>>
        %dma_wait3A_129 = arith.constant 0 : i32
        %dma_wait3A_130 = tpu.memref_slice %arg7[%add3A_11, %dma_wait3A_129] : memref<819200x64xf32, #tpu.memory_space<hbm>> -> memref<128x64xf32, #tpu.memory_space<hbm>>
        %dma_wait3A_131 = arith.constant 0 : i32
        %dma_wait3A_132 = tpu.memref_slice %arg7[%add3A_11, %dma_wait3A_131] : memref<819200x64xf32, #tpu.memory_space<hbm>> -> memref<128x64xf32, #tpu.memory_space<hbm>>
        %dma_wait3A_133 = arith.constant 0 : i32
        %dma_wait3A_134 = arith.constant 0 : i32
        %dma_wait3A_135 = tpu.memref_slice %arg9[%run_scoped3A, %dma_wait3A_133, %dma_wait3A_134] : memref<4x128x64xf32, #tpu.memory_space<vmem>> -> memref<1x128x64xf32, #tpu.memory_space<vmem>>
        %dma_wait3A_136 = tpu.memref_squeeze %dma_wait3A_135 : memref<1x128x64xf32, #tpu.memory_space<vmem>> -> memref<128x64xf32, #tpu.memory_space<vmem>>
        tpu.wait_dma2 semaphore(%run_scoped3A_112 : memref<!tpu.dma_semaphore, #tpu.memory_space<semaphore_mem>>) src(%dma_wait3A_136 : memref<128x64xf32, #tpu.memory_space<vmem>>) dst(%dma_wait3A_132 : memref<128x64xf32, #tpu.memory_space<hbm>>)
        tpu.yield
      }) : () -> ()
    }
    %scan3A_5 = arith.constant 200 : i32
    return
  }
}

</mosaic_0001>

<sc_bundles>
// kernel: kernel.3.cloned.1.call-start
scs
__scs_entry_jumppad:
0x0: {  	(pc) =	sbr.rel $0x88, $3  }
0x1: {  	(tag) =	ssettag $0x0;
	lr =	simm.s32 $0x1  }
0x2: {  	[smem:$0x3F9C] =	sst lr;
	_ =	strace $0xD0000000  }
0x3: {  	_ = 	snop  }
0x4: {  	_ = 	snop  }
0x5: {  	_ = 	snop  }
0x6: {  	_ = 	snop  }
0x7: {  	_ = 	snop  }
__scs_overlays_trampoline_lowered:
0x8: {  	[smem:$0x3FAB] =	sst s0  }
0x9: {  	[smem:$0x3FAC] =	sst s1  }
0xa: {  	[smem:$0x3FAD] =	sst s2  }
0xb: {  	[smem:$0x3FAE] =	sst s3  }
0xc: {  	[smem:$0x3FAF] =	sst s4  }
0xd: {  	[smem:$0x3FB0] =	sst s5  }
0xe: {  	[smem:$0x3FB1] =	sst s6  }
0xf: {  	[smem:$0x3FB2] =	sst s7  }
0x10: {  	[smem:$0x3FB3] =	sst s8  }
0x11: {  	[smem:$0x3FB4] =	sst s9;
	s0 =	simm.s32 @!p0 $0x0  }
0x12: {  	s1 =	sld [smem:$0x3F9A];
	s0 =	simm.s32 @p0 $0x1  }
0x13: {  	[smem:$0x3FB5] =	sst s0;
	s0 =	simm.s32 @!p1 $0x0  }
0x14: {  	s2 =	sld [smem:$0x3F99];
	s0 =	simm.s32 @p1 $0x1  }
0x15: {  	[smem:$0x3FB6] =	sst s0;
	s0 =	simm.s32 @!p2 $0x0  }
0x16: {  	s3 =	sld [smem:$0x3FDB];
	s0 =	simm.s32 @p2 $0x1  }
0x17: {  	s4 =	simm.s32 $0x1BF5;
	[smem:$0x3FB8] =	sst s0  }
0x18: {  	s0 =	sld [smem:$0x3F9B];
	_ =	swait.ge [sflag:s4], $0x0  }
0x19: {  	s7 =	sld [smem:$0x3F9C]  }
0x1a: {  	s8 =	sadd.s32 $0xFFFFE003, lr  }
0x1b: {  	s9 =	sadd.s32 $0xFFFFFEF7, lr;
	s5 =	simm.s32 $0xFFFFFFFF;
	p2 =	slt.u32 s8, $0xFFFFF086  }
0x1c: {  	p1 =	slt.u32 s9, $0xF7A;
	s5 =	simm.s32 @!p2 $0x0  }
0x1d: {  	s5 =	simm.s32 @p1 $0x1;
	p0 =	seq.s32 s7, s2  }
0x1e: {  	s7 =	smul.u32 @!p0 $0xF7A, s2;
	p2 =	seq.s32 @!p0 s5, $0x0  }
0x1f: {  	s9 =	smul.u32 $0xF7A, s1;
	s8 =	simm.s32 @!p0 $0x1BF5;
	p2 =	por !p2, p0  }
0x20: {  	[sflag:s8] =	ssyncset.s32 @!p0 $0xFFFFF086;
	s6 =	sadd.s32 @!p0 s3, s7;
	s7 =	simm.s32 @!p0 $0x108  }
0x21: {  	s3 =	sadd.s32 s3, s9;
	s6 =	sadd.s32 @!p0 $0x88, s6;
	s7 =	simm.s32 @p2 $0x1082  }
0x22: {  	[simem:s7], [sflag:s8] =	dma.local @!p0 [hbm:s6], $0xF7A  }
0x23: {  	s9 =	sor.u32 $0xD0000000, s2;
	s6 =	simm.s32 $0x108;
	_ =	swait.ge @!p0 [sflag:s8], $0x0  }
0x24: {  	s3 =	sadd.s32 $0x88, s3;
	s6 =	simm.s32 @!p1 $0x1082;
	[sflag:s4] =	ssyncset.s32 $0xFFFFF086  }
0x25: {  	[simem:s6], [sflag:s4] =	dma.local [hbm:s3], $0xF7A  }
0x26: {  	[smem:$0x3F9C] =	sst s1;
	(tag) =	ssettag s2;
	_ =	strace s9  }
0x27: {  	s1 =	sld [smem:$0x3FAC]  }
0x28: {  	s2 =	sld [smem:$0x3FAD]  }
0x29: {  	s4 =	sld [smem:$0x3FAF]  }
0x2a: {  	p0 =	seq.s32 s5, $0x0;
	s5 =	sld [smem:$0x3FB0]  }
0x2b: {  	s6 =	sld [smem:$0x3FB1]  }
0x2c: {  	s7 =	sld [smem:$0x3FB2]  }
0x2d: {  	s3 =	simm.s32 $0x108;
	s8 =	sld [smem:$0x3FB3]  }
0x2e: {  	s3 =	simm.s32 @!p0 $0x1082;
	s9 =	sld [smem:$0x3FB4]  }
0x2f: {  	lr =	sadd.s32 s0, s3;
	s0 =	sld [smem:$0x3FAB]  }
0x30: {  	s3 =	sld [smem:$0x3FAE]  }
0x31: {  	[smem:$0x3FB7] =	sst s10  }
0x32: {  	s10 =	sld [smem:$0x3FB5];
	_ =	sdelay $0x3  }
0x33: {  	p0 =	seq.s32 s10, $0x1;
	s10 =	sld [smem:$0x3FB7];
	_ =	sdelay $0x3  }
0x34: {  	[smem:$0x3FB7] =	sst s10  }
0x35: {  	s10 =	sld [smem:$0x3FB6];
	_ =	sdelay $0x3  }
0x36: {  	p1 =	seq.s32 s10, $0x1;
	s10 =	sld [smem:$0x3FB7];
	_ =	sdelay $0x3  }
0x37: {  	[smem:$0x3FB7] =	sst s10  }
0x38: {  	s10 =	sld [smem:$0x3FB8]  }
0x39: {  	_ = 	snop;
	(pc) =	sbr.ind lr, $3  }
0x3a: {  	_ = 	snop  }
0x3b: {  	_ = 	snop  }
0x3c: {  	p2 =	seq.s32 s10, $0x1;
	s10 =	sld [smem:$0x3FB7]  }
0x3d: {  	_ =	shalt  }
0x3e: {  	_ =	shalt  }
0x3f: {  	_ =	shalt  }
0x40: {  	_ =	shalt  }
0x41: {  	_ =	shalt  }
0x42: {  	_ =	shalt  }
0x43: {  	_ =	shalt  }
0x44: {  	_ =	shalt  }
0x45: {  	_ =	shalt  }
0x46: {  	_ =	shalt  }
0x47: {  	_ =	shalt  }
0x48: {  	_ =	shalt  }
0x49: {  	_ =	shalt  }
0x4a: {  	_ =	shalt  }
0x4b: {  	_ =	shalt  }
0x4c: {  	_ =	shalt  }
0x4d: {  	_ =	shalt  }
0x4e: {  	_ =	shalt  }
0x4f: {  	_ =	shalt  }
0x50: {  	_ =	shalt  }
0x51: {  	_ =	shalt  }
0x52: {  	_ =	shalt  }
0x53: {  	_ =	shalt  }
0x54: {  	_ =	shalt  }
0x55: {  	_ =	shalt  }
0x56: {  	_ =	shalt  }
0x57: {  	_ =	shalt  }
0x58: {  	_ =	shalt  }
0x59: {  	_ =	shalt  }
0x5a: {  	_ =	shalt  }
0x5b: {  	_ =	shalt  }
0x5c: {  	_ =	shalt  }
0x5d: {  	_ =	shalt  }
0x5e: {  	_ =	shalt  }
0x5f: {  	_ =	shalt  }
0x60: {  	_ =	shalt  }
0x61: {  	_ =	shalt  }
0x62: {  	_ =	shalt  }
0x63: {  	_ =	shalt  }
0x64: {  	_ =	shalt  }
0x65: {  	_ =	shalt  }
0x66: {  	_ =	shalt  }
0x67: {  	_ =	shalt  }
0x68: {  	_ =	shalt  }
0x69: {  	_ =	shalt  }
0x6a: {  	_ =	shalt  }
0x6b: {  	_ =	shalt  }
0x6c: {  	_ =	shalt  }
0x6d: {  	_ =	shalt  }
0x6e: {  	_ =	shalt  }
0x6f: {  	_ =	shalt  }
0x70: {  	_ =	shalt  }
0x71: {  	_ =	shalt  }
0x72: {  	_ =	shalt  }
0x73: {  	_ =	shalt  }
0x74: {  	_ =	shalt  }
0x75: {  	_ =	shalt  }
0x76: {  	_ =	shalt  }
0x77: {  	_ =	shalt  }
0x78: {  	_ =	shalt  }
0x79: {  	_ =	shalt  }
0x7a: {  	_ =	shalt  }
0x7b: {  	_ =	shalt  }
0x7c: {  	_ =	shalt  }
0x7d: {  	_ =	shalt  }
0x7e: {  	_ =	shalt  }
0x7f: {  	_ =	shalt  }
0x80: {  	_ =	shalt  }
0x81: {  	_ =	shalt  }
0x82: {  	_ =	shalt  }
0x83: {  	_ =	shalt  }
0x84: {  	_ =	shalt  }
0x85: {  	_ =	shalt  }
0x86: {  	_ =	shalt  }
0x87: {  	_ =	shalt  }
.Lfunc_end0:
.L_simem_size_0:
called_computation.1_lowered:
.L_overlay_start_0:
0x88: {  	s2 =	sld [smem:$0x3FD9]  }
0x89: {  	s3 =	sld [smem:$0x3FFE];
	_ =	sdelay $0x1  }
0x8a: {  	s1 =	srdreg.scid  }
0x8b: {  	s0 =	sand.u32 $0x1, s1  }
0x8c: {  	s17 =	sshll.u32 s0, $0xA;
	s2 =	sadd.s32 s3, s2  }
0x8d: {  	s2 =	sadd.s32 s2, s17  }
0x8e: {  	[smem:$0x3FC3] =	sst s2  }
0x8f: {  	_ = 	snop  }
0x90: {  	s2 =	sld [smem:$0x3FD0];
	(tm) =	ssettm $0x1  }
0x91: {  	s18 =	sld [smem:$0x3FFB];
	_ =	sdelay $0x3  }
0x92: {  	_ =	strace s18  }
0x93: {  	s3 =	sld [smem:$0x3FFC];
	_ =	sdelay $0x3  }
0x94: {  	_ =	strace s3  }
0x95: {  	s3 =	sld [smem:$0x3FFD];
	_ =	sdelay $0x3  }
0x96: {  	_ =	strace s3  }
0x97: {  	_ =	strace $0x8FFFFFFF  }
0x98: {  	s19 =	sld [smem:$0x3FDB];
	_ =	sdelay $0x1  }
0x99: {  	s4 =	simm.s32 $_scs_section_size  }
0x9a: {  	s5 =	simm.s32 $_size__tile_overlayer_lowered;
	s6 =	simm.s32 $_tile_overlayer_lowered  }
0x9b: {  	s22 =	simm.s32 $0x1BFF;
	s21 =	sshll.u32 s6, $0x1;
	s3 =	sadd.s32 s4, s19  }
0x9c: {  	s7 =	simm.s32 $0x0;
	s20 =	sshll.u32 s5, $0x1;
	s5 =	sadd.s32 s21, s3  }
0x9d: {  	[timem:s7], [sflag:s22] =	dma.local [hbm:s5], s20  }
0x9e: {  	_ =	swait.ge [sflag:s22], s20  }
0x9f: {  	s4 =	ssub.s32 $0x0, s20;
	[sflag:s22] =	ssyncset.done $0x0  }
0xa0: {  	[sflag:s22] =	ssyncadd.s32 s4;
	_ =	sdelay $0x1  }
0xa1: {  	s23 =	simm.s32 $0x1B8B  }
0xa2: {  	_ =	swait.ge [sflag:s23], $0x1  }
0xa3: {  	[sflag:s23] =	ssyncset.done $0x0  }
0xa4: {  	s25 =	simm.s32 $0x1B8E;
	s24 =	sld [smem:$0x3FFE];
	[sflag:s23] =	ssyncadd.s32 $0xFFFFFFFF  }
0xa5: {  	s26 =	simm.s32 $execute0_lowered;
	[smem:$0x3FD2] =	sst s25  }
0xa6: {  	s5 =	sshll.u32 s26, $0x1;
	_ =	strace $0x80000046;
	[dreg:$0x1] =	wrdreg $0xFFFFFFFF  }
0xa7: {  	s28 =	simm.s32 $_size_execute0_lowered;
	s3 =	sadd.s32 s3, s5;
	[dreg:$0x0] =	wrdreg $0x0  }
0xa8: {  	s5 =	sshll.u32 s28, $0x1;
	[dreg:$0x2] =	wrdreg s3  }
0xa9: {  	[dreg:$0x3] =	wrdreg s5  }
0xaa: {  	[dreg:$0x4] =	wrdreg $0xC0  }
0xab: {  	_ =	task [dreg:s7], $0x5FFFF  }
0xac: {  	[dreg:$0x1] =	wrdreg $0xFFFFFFFF  }
0xad: {  	[dreg:$0x0] =	wrdreg $0x60  }
0xae: {  	[dreg:$0x2] =	wrdreg s24  }
0xaf: {  	[dreg:$0x3] =	wrdreg s2  }
0xb0: {  	[dreg:$0x4] =	wrdreg $0x9  }
0xb1: {  	_ =	task.clear_ibuf [dreg:s7], $0x5FFFF;
	_ =	strace $0x90000046  }
0xb2: {  	s29 =	simm.s32 $0x9;
	_ =	strace $0x80000048  }
0xb3: {  	_ =	swait.ge [sflag:s29], $0x1  }
0xb4: {  	[sflag:s29] =	ssyncadd.s32 $0xFFFFFFFF  }
0xb5: {  	_ =	strace $0x90000048  }
0xb6: {  	_ =	sfence  }
0xb7: {  	s30 =	sld [smem:$0x0];
	_ =	sdelay $0x2  }
0xb8: {  	s31 =	sshll.u32 s1, $0xD;
	s1 =	sshrl.u32 s1, $0x2  }
0xb9: {  	s3 =	sand.u32 $0x4000, s31;
	s1 =	sadd.s32 s1, s30  }
0xba: {  	s0 =	sor.u32 s3, s0;
	s1 =	sshll.u32 s1, $0x11  }
0xbb: {  	s0 =	sor.u32 s1, s0  }
0xbc: {  	s0 =	sadd.s32 $0x8F2B, s0  }
0xbd: {  	[sflag:s0] =	ssyncadd.remote.s32 $0x1  }
0xbe: {  	_ =	sfence.sel $0xFFFF  }
0xbf: {  	[dreg:$0x0] =	wrdreg $0xFFFFFFFF;
	(pc) =	sbr.abs _section_cstart, $3  }
0xc0: {  	[dreg:$0x1] =	wrdreg $0xFFFFFFFF  }
0xc1: {  	_ =	task.clear_ibuf [dreg:s7], $0x2FFFF;
	_ =	strace $0x9FFFFFFF  }
0xc2: {  	(tm) =	ssettm $0x7FFFFFFF  }
0xc3: {  	_ =	shalt  }
tec
execute0_lowered:
.L_overlay_start_1:
0x0: {  	(tag) =	ssettag $0x1  }
0x1: {  	s8 =	rddreg [dreg:$0x0]  }
0x2: {  	s1 =	rddreg [dreg:$0x1]  }
0x3: {  	s0 =	rddreg [dreg:$0x2];
	s2 =	simm.s32 $0x0;
	s6 =	srdreg.scid  }
0x4: {  	s3 =	stileid.u32;
	s13 =	simm.s32 $0x80;
	s14 =	simm.s32 $0x200  }
0x5: {  	s15 =	simm.s32 $0x2200;
	s16 =	simm.s32 $0x100;
	s17 =	simm.s32 $0x4200  }
0x6: {  	s18 =	simm.s32 $0x180;
	s19 =	simm.s32 $0x6200;
	s20 =	simm.s32 $0x1  }
0x7: {  	s21 =	simm.s32 $0x0;
	[smem:$0x7FF] =	sst s2;
	s4 =	sadd.s32 $0x4000, s8  }
0x8: {  	s5 =	sadd.s32 $0x68000, s8;
	s9 =	sand.u32 $0x1, s6;
	s6 =	sadd.s32 $0x12B600, s8  }
0x9: {  	s11 =	sshll.u32 s3, $0x1;
	s7 =	sadd.s32 $0x1EEC00, s8;
	s10 =	ssub.s32 $0x2, s9  }
0xa: {  	s8 =	sadd.s32 $0x2B2200, s8;
	s11 =	sor.u32 s9, s11;
	s12 =	sshrl.u32 s10, $0x1  }
0xb: {  	_ =	strace $0x80000047;
	s9 =	smul.u32 $0x19000, s11;
	s12 =	ssub.s32 s10, s12  }
0xc: {  	s10 =	smul.u32 $0x190000, s11;
	s11 =	smax.u32 s12, $0x1;
	s12 =	simm.s32 $0x2  }
.LBB2_1:
0xd: {  	s22 =	simm.s32 $0x0  }
.LBB2_2:
0xe: {  	s23 =	sshll.u32 s22, $0x9  }
0xf: {  	s23 =	sadd.s32 s9, s23  }
0x10: {  	s23 =	sshrl.u32 s23, $0x3  }
0x11: {  	s24 =	simm.s32 $0x0;
	s23 =	sadd.s32 s4, s23  }
0x12: {  	[tilespmem:s24], [sflag:$0x2] =	stream.linear.gather [hbm4b:s23+s24], $0x200, $0x38;
	[tilespmem:$0x8200] =	vst v63  }
0x13: {  	_ =	swait.ge [sflag:s12], $0x200  }
0x14: {  	[sflag:s12] =	ssyncset.done $0x0  }
0x15: {  	[sflag:s12] =	ssyncadd.s32 $0xFFFFFE00  }
0x16: {  	[tilespmem:s14], [sflag:$0x1] =	stream.indirect.gather [hbm4b:s5+s13], $0x40, s24, s13, $0xb8;
	[tilespmem:$0x8200] =	vst v63  }
0x17: {  	_ = 	snop  }
0x18: {  	[tilespmem:s15], [sflag:$0x1] =	stream.indirect.gather [hbm4b:s6+s13], $0x40, s13, s13, $0xb8;
	[tilespmem:$0x8200] =	vst v63  }
0x19: {  	_ = 	snop  }
0x1a: {  	[tilespmem:s17], [sflag:$0x1] =	stream.indirect.gather [hbm4b:s7+s13], $0x40, s16, s13, $0xb8;
	[tilespmem:$0x8200] =	vst v63  }
0x1b: {  	_ = 	snop  }
0x1c: {  	[tilespmem:s19], [sflag:$0x1] =	stream.indirect.gather [hbm4b:s8+s13], $0x40, s18, s13, $0xb8;
	[tilespmem:$0x8200] =	vst v63  }
0x1d: {  	_ =	swait.ge [sflag:s20], $0x2000  }
0x1e: {  	[sflag:s20] =	ssyncset.done $0x0  }
0x1f: {  	[sflag:s20] =	ssyncadd.s32 $0xFFFFE000  }
0x20: {  	_ =	swait.ge [sflag:s20], $0x2000  }
0x21: {  	[sflag:s20] =	ssyncset.done $0x0  }
0x22: {  	[sflag:s20] =	ssyncadd.s32 $0xFFFFE000  }
0x23: {  	_ =	swait.ge [sflag:s20], $0x2000  }
0x24: {  	[sflag:s20] =	ssyncset.done $0x0  }
0x25: {  	[sflag:s20] =	ssyncadd.s32 $0xFFFFE000  }
0x26: {  	_ =	swait.ge [sflag:s20], $0x2000  }
0x27: {  	[sflag:s20] =	ssyncset.done $0x0  }
0x28: {  	s23 =	simm.s32 $0x0;
	[sflag:s20] =	ssyncadd.s32 $0xFFFFE000  }
0x29: {  	v1 =	vld [tilespmem:s23+$0x6200]  }
0x2a: {  	v2 =	vld [tilespmem:s23+$0x6210]  }
0x2b: {  	v3 =	vld [tilespmem:s23+$0x4200]  }
0x2c: {  	v0 =	vld [tilespmem:s23+$0x4210]  }
0x2d: {  	v6 =	vld [tilespmem:s23+$0x2200]  }
0x2e: {  	v7 =	vld [tilespmem:s23+$0x2210]  }
0x2f: {  	v5 =	vld [tilespmem:s23+$0x2220]  }
0x30: {  	v4 =	vld [tilespmem:s23+$0x2230]  }
0x31: {  	v9 =	vld [tilespmem:s23+$0x200]  }
0x32: {  	v10 =	vld [tilespmem:s23+$0x210]  }
0x33: {  	s24 =	simm.s32 $0x100;
	v8 =	vld [tilespmem:s23+$0x220]  }
.LBB2_3:
0x34: {  	p0 =	sne.s32 s24, $0x7F00;
	v11 =	vld [tilespmem:s23+$0x230]  }
0x35: {  	v12 =	vld [tilespmem:s23+$0x4220]  }
0x36: {  	v6 =	vadd.f32 v6, v9;
	v9 =	vld [tilespmem:s23+$0x4230]  }
0x37: {  	v7 =	vadd.f32 v7, v10;
	v10 =	vld [tilespmem:s23+$0x6220]  }
0x38: {  	s25 =	sshra.s32 s24, $0x2;
	v3 =	vadd.f32 v3, v6;
	v5 =	vadd.f32 v5, v8;
	v8 =	vld [tilespmem:s23+$0x6230]  }
0x39: {  	v13 =	vld [tilespmem:s25+$0x6200];
	v0 =	vadd.f32 v0, v7;
	v4 =	vadd.f32 v4, v11  }
0x3a: {  	v11 =	vld [tilespmem:s25+$0x6210];
	v1 =	vadd.f32 v1, v3;
	v5 =	vadd.f32 v12, v5  }
0x3b: {  	v3 =	vld [tilespmem:s25+$0x4200];
	v2 =	vadd.f32 v2, v0;
	v4 =	vadd.f32 v9, v4  }
0x3c: {  	v0 =	vld [tilespmem:s25+$0x4210];
	v9 =	vmul.f32 $2.500000000e-01, v1;
	v5 =	vadd.f32 v10, v5  }
0x3d: {  	v6 =	vld [tilespmem:s25+$0x2200];
	v12 =	vmul.f32 $2.500000000e-01, v2;
	v4 =	vadd.f32 v8, v4  }
0x3e: {  	v7 =	vld [tilespmem:s25+$0x2210];
	[tilespmem:s23+$0x200] =	vst v9;
	v8 =	vmul.f32 $2.500000000e-01, v5;
	v1 =	vmov v13  }
.Ltmp0:
0x3f: {  	v5 =	vld [tilespmem:s25+$0x2220];
	[tilespmem:s23+$0x210] =	vst v12;
	v10 =	vmul.f32 $2.500000000e-01, v4;
	v2 =	vmov v11;
	(pc) =	sbr.rel @p0 .LBB2_3-.Ltmp0, $4  }
0x40: {  	v4 =	vld [tilespmem:s25+$0x2230];
	[tilespmem:s23+$0x220] =	vst v8  }
0x41: {  	v9 =	vld [tilespmem:s25+$0x200];
	[tilespmem:s23+$0x230] =	vst v10;
	s23 =	smov.u32 s25  }
0x42: {  	v10 =	vld [tilespmem:s23+$0x210]  }
0x43: {  	s24 =	sadd.s32 $0x100, s24;
	v8 =	vld [tilespmem:s23+$0x220]  }
0x44: {  	v11 =	vld [tilespmem:s23+$0x230]  }
0x45: {  	v12 =	vld [tilespmem:s23+$0x4220]  }
0x46: {  	v57 =	vld [tilespmem:s23+$0x4230];
	v6 =	vadd.f32 v6, v9  }
0x47: {  	v58 =	vld [tilespmem:s23+$0x6220];
	v7 =	vadd.f32 v7, v10  }
0x48: {  	v59 =	vld [tilespmem:s23+$0x6230];
	v3 =	vadd.f32 v3, v6;
	v5 =	vadd.f32 v5, v8  }
0x49: {  	v0 =	vadd.f32 v0, v7;
	v4 =	vadd.f32 v4, v11  }
0x4a: {  	v1 =	vadd.f32 v1, v3;
	v60 =	vadd.f32 v12, v5  }
0x4b: {  	v0 =	vadd.f32 v2, v0;
	v61 =	vadd.f32 v57, v4  }
0x4c: {  	v1 =	vmul.f32 $2.500000000e-01, v1;
	v3 =	vadd.f32 v58, v60  }
0x4d: {  	v0 =	vmul.f32 $2.500000000e-01, v0;
	v2 =	vadd.f32 v59, v61  }
0x4e: {  	s24 =	sshll.u32 s22, $0xD;
	[tilespmem:s23+$0x200] =	vst v1;
	v62 =	vmul.f32 $2.500000000e-01, v3  }
0x4f: {  	s22 =	sadd.s32 $0x1, s22;
	s24 =	sadd.s32 s10, s24;
	[tilespmem:s23+$0x210] =	vst v0;
	v63 =	vmul.f32 $2.500000000e-01, v2  }
0x50: {  	p0 =	sne.s32 s22, $0xC8;
	s24 =	sshrl.u32 s24, $0x3;
	[tilespmem:s23+$0x220] =	vst v62  }
.Ltmp1:
0x51: {  	s31 =	sadd.s32 s1, s24;
	[tilespmem:s23+$0x230] =	vst v63;
	(pc) =	sbr.rel @p0 .LBB2_2-.Ltmp1, $4  }
0x52: {  	[hbm4b:s31+s2] =	stream.linear.scatter [tilespmem:s14], [sflag:$0x2], $0x2000, $0x38;
	[tilespmem:$0x8200] =	vst v63  }
0x53: {  	_ =	swait.ge [sflag:s12], $0x2000  }
0x54: {  	[sflag:s12] =	ssyncset.done $0x0  }
0x55: {  	[sflag:s12] =	ssyncadd.s32 $0xFFFFE000  }
0x56: {  	s21 =	sadd.s32 $0x1, s21  }
0x57: {  	p0 =	sne.s32 s21, s11  }
.Ltmp2:
0x58: {  	_ = 	snop;
	(pc) =	sbr.rel @p0 .LBB2_1-.Ltmp2, $1  }
0x59: {  	_ =	sdelay $0x3  }
0x5a: {  	_ =	sfence.sel $0x180000  }
0x5b: {  	[bflag:$0x0] =	sbarrier.arrive $0xFFFF  }
0x5c: {  	p0 =	sne.s32 s3, $0x0;
	_ =	strace $0x90000047  }
0x5d: {  	s0 =	sadd.s32 @!p0 $0x100000, s0;
	[bflag:$0x2] =	sbarrier.arrive $0xFFFF  }
0x5e: {  	[sflag:s0] =	ssyncadd.tile.s32 @!p0 $0x1;
	_ =	shalt  }
.Lfunc_end2:
_tile_overlayer_lowered:
.L_overlay_start_2:
0x5f: {  	(tag) =	ssettag $0x2  }
0x60: {  	s0 =	rddreg [dreg:$0x0];
	s2 =	stileid.u32  }
0x61: {  	s1 =	rddreg [dreg:$0x1];
	p0 =	sne.s32 s2, $0x0  }
0x62: {  	s3 =	rddreg [dreg:$0x2];
	[bflag:$0x3] =	sbarrier.arrive $0xFFFF;
	s2 =	simm.s32 @!p0 $0x1C02  }
0x63: {  	[timem:s3], [sflag:s2] =	dma.local @!p0 [hbm:s0], s1  }
0x64: {  	s0 =	simm.s32 @!p0 $0x2  }
0x65: {  	_ =	swait.ge @!p0 [sflag:s0], s1  }
0x66: {  	s1 =	ssub.s32 @!p0 $0x0, s1;
	[sflag:s0] =	ssyncset.done @!p0 $0x0  }
0x67: {  	[sflag:s0] =	ssyncadd.s32 @!p0 s1  }
0x68: {  	[bflag:$0x3] =	sbarrier.arrive $0xFFFF  }
0x69: {  	_ =	shalt  }

// kernel: sparse-core-data-format-call.cloned.1.call-start
scs
called_computation_lowered:
.L_overlay_start_0:
0x0: {  	s2 =	sld [smem:$0x3FD9]  }
0x1: {  	s3 =	sld [smem:$0x3FFE];
	_ =	sdelay $0x1  }
0x2: {  	s1 =	srdreg.scid  }
0x3: {  	s0 =	sand.u32 $0x1, s1  }
0x4: {  	s18 =	sshll.u32 s0, $0xA;
	s2 =	sadd.s32 s3, s2  }
0x5: {  	s2 =	sadd.s32 s2, s18  }
0x6: {  	[smem:$0x3FC3] =	sst s2  }
0x7: {  	_ = 	snop  }
0x8: {  	s2 =	sld [smem:$0x3FD0];
	(tm) =	ssettm $0x1  }
0x9: {  	s19 =	sld [smem:$0x3FFB];
	_ =	sdelay $0x3  }
0xa: {  	_ =	strace s19  }
0xb: {  	s3 =	sld [smem:$0x3FFC];
	_ =	sdelay $0x3  }
0xc: {  	_ =	strace s3  }
0xd: {  	s3 =	sld [smem:$0x3FFD];
	_ =	sdelay $0x3  }
0xe: {  	_ =	strace s3  }
0xf: {  	_ =	strace $0x8FFFFFFF  }
0x10: {  	s20 =	sld [smem:$0x3FDB];
	_ =	sdelay $0x1  }
0x11: {  	s4 =	simm.s32 $_scs_section_size  }
0x12: {  	s5 =	simm.s32 $_size__tile_overlayer_lowered;
	s6 =	simm.s32 $_tile_overlayer_lowered  }
0x13: {  	s23 =	simm.s32 $0x1BFF;
	s22 =	sshll.u32 s6, $0x1;
	s3 =	sadd.s32 s4, s20  }
0x14: {  	s7 =	simm.s32 $0x0;
	s21 =	sshll.u32 s5, $0x1;
	s5 =	sadd.s32 s22, s3  }
0x15: {  	[timem:s7], [sflag:s23] =	dma.local [hbm:s5], s21  }
0x16: {  	_ =	swait.ge [sflag:s23], s21  }
0x17: {  	s4 =	ssub.s32 $0x0, s21;
	[sflag:s23] =	ssyncset.done $0x0  }
0x18: {  	[sflag:s23] =	ssyncadd.s32 s4;
	_ =	sdelay $0x1  }
0x19: {  	s24 =	simm.s32 $0x1B8B  }
0x1a: {  	_ =	swait.ge [sflag:s24], $0x1  }
0x1b: {  	[sflag:s24] =	ssyncset.done $0x0  }
0x1c: {  	s26 =	simm.s32 $0x1B8E;
	s25 =	sld [smem:$0x3FFE];
	[sflag:s24] =	ssyncadd.s32 $0xFFFFFFFF  }
0x1d: {  	s27 =	simm.s32 $execute0_lowered;
	[smem:$0x3FD2] =	sst s26  }
0x1e: {  	s5 =	sshll.u32 s27, $0x1;
	_ =	strace $0x80000049;
	[dreg:$0x1] =	wrdreg $0xFFFFFFFF  }
0x1f: {  	s28 =	simm.s32 $_size_execute0_lowered;
	s3 =	sadd.s32 s3, s5;
	[dreg:$0x0] =	wrdreg $0x0  }
0x20: {  	s5 =	sshll.u32 s28, $0x1;
	[dreg:$0x2] =	wrdreg s3  }
0x21: {  	[dreg:$0x3] =	wrdreg s5  }
0x22: {  	[dreg:$0x4] =	wrdreg $0xC0  }
0x23: {  	_ =	task [dreg:s7], $0x5FFFF  }
0x24: {  	[dreg:$0x1] =	wrdreg $0xFFFFFFFF  }
0x25: {  	[dreg:$0x0] =	wrdreg $0x60  }
0x26: {  	[dreg:$0x2] =	wrdreg s25  }
0x27: {  	[dreg:$0x3] =	wrdreg s2  }
0x28: {  	[dreg:$0x4] =	wrdreg $0x9  }
0x29: {  	_ =	task.clear_ibuf [dreg:s7], $0x5FFFF;
	_ =	strace $0x90000049  }
0x2a: {  	s29 =	simm.s32 $0x9;
	_ =	strace $0x8000004B  }
0x2b: {  	_ =	swait.ge [sflag:s29], $0x1  }
0x2c: {  	[sflag:s29] =	ssyncadd.s32 $0xFFFFFFFF  }
0x2d: {  	_ =	strace $0x9000004B  }
0x2e: {  	_ =	sfence  }
0x2f: {  	s30 =	sld [smem:$0x0];
	_ =	sdelay $0x2  }
0x30: {  	s31 =	sshll.u32 s1, $0xD;
	s1 =	sshrl.u32 s1, $0x2  }
0x31: {  	s3 =	sand.u32 $0x4000, s31;
	s1 =	sadd.s32 s1, s30  }
0x32: {  	s0 =	sor.u32 s3, s0;
	s1 =	sshll.u32 s1, $0x11  }
0x33: {  	s0 =	sor.u32 s1, s0  }
0x34: {  	s0 =	sadd.s32 $0x8F2B, s0  }
0x35: {  	[sflag:s0] =	ssyncadd.remote.s32 $0x1  }
0x36: {  	_ =	sfence.sel $0xFFFF  }
0x37: {  	[dreg:$0x0] =	wrdreg $0xFFFFFFFF;
	(pc) =	sbr.abs _section_cstart, $3  }
0x38: {  	[dreg:$0x1] =	wrdreg $0xFFFFFFFF  }
0x39: {  	_ =	task.clear_ibuf [dreg:s7], $0x2FFFF;
	_ =	strace $0x9FFFFFFF  }
0x3a: {  	(tm) =	ssettm $0x7FFFFFFF  }
0x3b: {  	_ =	shalt  }
tec
execute0_lowered:
.L_overlay_start_1:
0x0: {  	(tag) =	ssettag $0x1  }
0x1: {  	s0 =	srdreg.scid  }
0x2: {  	s1 =	sshll.u32 s0, $0x4  }
0x3: {  	s0 =	stileid.u32;
	s1 =	sand.u32 $0x10, s1  }
0x4: {  	s1 =	sor.u32 s0, s1  }
0x5: {  	s6 =	rddreg [dreg:$0x0];
	s4 =	simm.s32 $0x1;
	s2 =	sshll.u32 s1, $0x7  }
0x6: {  	s7 =	simm.s32 $0x2;
	s12 =	simm.s32 $0x0;
	s1 =	ssub.s32 $0x1000, s2  }
0x7: {  	s8 =	simm.s32 $0x8000;
	s13 =	simm.s32 $0x0;
	s3 =	sand.u32 $0xF80, s1  }
0x8: {  	s9 =	simm.s32 $0x0;
	s5 =	sshrl.u32 s1, $0xC;
	p0 =	sne.s32 s3, $0x0  }
.Ltmp0:
0x9: {  	s1 =	rddreg [dreg:$0x2];
	s4 =	simm.s32 @!p0 $0x0;
	(pc) =	sbr.rel .LBB1_1-.Ltmp0, $4  }
0xa: {  	s11 =	simm.s32 $0x0;
	s3 =	rddreg [dreg:$0x1];
	s5 =	sadd.s32 s4, s5  }
0xb: {  	_ =	strace $0x8000004A;
	s4 =	simm.s32 $0x1;
	s5 =	smul.u32 $0xC8, s5  }
0xc: {  	s6 =	sadd.s32 $0x4000, s6;
	s10 =	smov.u32 s2;
	[sflag:s4] =	ssyncpa.u1 $0x0  }
0xd: {  	p0 =	por $0x0, $0x0;
	[sflag:s7] =	ssyncpa.u1 $0x0;
	s7 =	sor.u32 $0x1, s5  }
.LBB1_4:
0xe: {  	s16 =	sshll.u32 s13, $0x3;
	s17 =	sand.u32 $0x78, s13  }
0xf: {  	s30 =	sand.u32 $0x7E00, s13;
	s12 =	sshll.u32 s12, $0xF;
	s16 =	sand.u32 $0xC00, s16  }
0x10: {  	[tilespmem:s15+$0x810 ss:$0x81] =	vst.msk $0xffff, v2;
	s31 =	sand.u32 $0x7, s13;
	s16 =	sor.u32 s17, s16;
	s17 =	sadd.s32 s3, s30  }
0x11: {  	[tilespmem:s15+$0x1020 ss:$0x81] =	vst.msk $0xffff, v0;
	s13 =	sshll.u32 s31, $0x12;
	s12 =	sadd.s32 s12, s17;
	s16 =	sshrl.u32 s16, $0x3  }
0x12: {  	[tilespmem:s15+$0x0 ss:$0x81] =	vst.msk $0xffff, v1;
	s13 =	sor.u32 $0x400, s13;
	s12 =	sadd.s32 s16, s12  }
0x13: {  	[hbm4b:s12+s13] =	stream.strided.scatter [tilespmem:s14], [sflag:$0x2], $0x2000, s8, s13, $0x20;
	[tilespmem:$0x8080] =	vst v63  }
.LBB1_5:
0x14: {  	s14 =	sadd.s32 $0x1, s9  }
0x15: {  	s12 =	sadd.s32 $0x1000, s10;
	s16 =	smov.u32 s10;
	p2 =	sgt.s32 s14, $0xC7  }
0x16: {  	s16 =	smov.u32 @p2 s12  }
0x17: {  	s14 =	simm.s32 @p2 $0x0;
	p2 =	sgt.s32 s16, $0xFFF  }
0x18: {  	s16 =	smov.u32 @p2 s2;
	p2 =	sne.s32 s11, s7  }
.Ltmp1:
0x19: {  	p1 =	slt.u32 s11, $0x2;
	(pc) =	sbr.rel @!p2 .LBB1_6-.Ltmp1, $4  }
0x1a: {  	s15 =	simm.s32 @!p1 $0x2  }
0x1b: {  	s13 =	smov.u32 s10;
	p0 =	por !p0, !p0;
	_ =	swait.ge @!p1 [sflag:s15], $0x2000  }
0x1c: {  	s12 =	smov.u32 s9;
	[sflag:s15] =	ssyncset.done @!p1 $0x0;
	s9 =	smov.u32 s14  }
0x1d: {  	s11 =	sadd.s32 $0x1, s11;
	[sflag:s15] =	ssyncadd.s32 @!p1 $0xFFFFE000;
	s10 =	smov.u32 s16  }
.LBB1_1:
0x1e: {  	p1 =	sge.u32 s11, s5  }
0x1f: {  	s14 =	sand.u32 @!p1 $0x1FFFFFF, s9  }
0x20: {  	s15 =	smulhi.u32 @!p1 $0x147AE15, s14;
	_ =	sdelay $0x1  }
0x21: {  	s15 =	smul.u32 @!p1 $0xC8, s15  }
0x22: {  	s16 =	sxor.u32 @!p1 $0xFFFFFFFF, s11;
	s17 =	smul.u32 @!p1 $0xC80, s10  }
0x23: {  	s31 =	sadd.s32 $0xFFFFFFFF, s11;
	s16 =	sshll.u32 @!p1 s16, $0xD;
	s14 =	ssub.s32 @!p1 s14, s15  }
0x24: {  	s15 =	sand.u32 @!p1 $0x2000, s16;
	s16 =	sadd.s32 @!p1 s6, s17;
	s14 =	sshll.u32 @!p1 s14, $0x4  }
0x25: {  	s17 =	simm.s32 @!p1 $0x6400;
	s14 =	sadd.s32 @!p1 s14, s16;
	s16 =	simm.s32 @!p1 $0x40  }
0x26: {  	[tilespmem:s15], [sflag:$0x1] =	stream.strided.gather @!p1 [hbm4b:s14+s16], $0x2000, s17, s16, $0x38;
	[tilespmem:$0x8080] =	vst v63  }
0x27: {  	p1 =	sge.u32 s31, s5  }
.Ltmp2:
0x28: {  	_ = 	snop;
	(pc) =	sbr.rel @p1 .LBB1_5-.Ltmp2, $1  }
0x29: {  	_ =	sdelay $0x3  }
0x2a: {  	s14 =	simm.s32 $0x1  }
0x2b: {  	_ =	swait.ge [sflag:s4], $0x2000;
	s14 =	simm.s32 @!p0 $0x0  }
0x2c: {  	[sflag:s4] =	ssyncset.done $0x0;
	s15 =	sshll.u32 s14, $0xD  }
0x2d: {  	[sflag:s4] =	ssyncadd.s32 $0xFFFFE000;
	s18 =	sor.u32 $0x20, s15  }
0x2e: {  	s14 =	smul.u32 $0x8100, s14;
	v3 =	vld [tilespmem:s18+$0x10]  }
0x2f: {  	s30 =	sand.u32 $0x1, s11;
	v2 =	vld [tilespmem:s18+$0xFFFFFFF0]  }
0x30: {  	s15 =	smul.u32 $0x8100, s30;
	s14 =	sshrl.u32 s14, $0x2;
	v0 =	vld [tilespmem:s18+$0x0]  }
0x31: {  	v1 =	vld [tilespmem:s18+$0xFFFFFFE0];
	s16 =	sor.u32 $0x4000, s14  }
0x32: {  	s31 =	sshrl.u32 s15, $0x2;
	s15 =	sadd.s32 $0x0, s16  }
0x33: {  	s17 =	simm.s32 $0x4;
	s18 =	sadd.s32 $0x40, s18;
	s14 =	sor.u32 $0x4000, s31;
	[tilespmem:s15+$0x1830 ss:$0x81] =	vst.msk $0xffff, v3  }
.LBB1_3:
0x34: {  	v3 =	vld [tilespmem:s18+$0x10];
	p1 =	sne.s32 s17, $0x1FC;
	[tilespmem:s15+$0x810 ss:$0x81] =	vst.msk $0xffff, v2;
	s19 =	smov.u32 s17;
	s17 =	sadd.s32 $0x4, s17  }
.Ltmp3:
0x35: {  	v2 =	vld [tilespmem:s18+$0xFFFFFFF0];
	[tilespmem:s15+$0x1020 ss:$0x81] =	vst.msk $0xffff, v0;
	(pc) =	sbr.rel @p1 .LBB1_3-.Ltmp3, $4  }
0x36: {  	v0 =	vld [tilespmem:s18+$0x0];
	[tilespmem:s15+$0x0 ss:$0x81] =	vst.msk $0xffff, v1  }
0x37: {  	s15 =	sshra.s32 s19, $0x2;
	v1 =	vld [tilespmem:s18+$0xFFFFFFE0]  }
0x38: {  	s15 =	sadd.s32 s15, s16  }
0x39: {  	s18 =	sadd.s32 $0x40, s18;
	[tilespmem:s15+$0x1830 ss:$0x81] =	vst.msk $0xffff, v3  }
.Ltmp4:
0x3a: {  	_ = 	snop;
	(pc) =	sbr.rel .LBB1_4-.Ltmp4, $1  }
0x3b: {  	_ =	sdelay $0x3  }
.LBB1_6:
0x3c: {  	_ =	sfence.sel $0x180000  }
0x3d: {  	s2 =	simm.s32 $0x1;
	[bflag:$0x0] =	sbarrier.arrive $0xFFFF  }
0x3e: {  	s31 =	simm.s32 $0x2;
	[sflag:s2] =	ssyncpa.u1 $0x1  }
0x3f: {  	[sflag:s31] =	ssyncpa.u1 $0x1  }
0x40: {  	p0 =	sne.s32 s0, $0x0;
	_ =	strace $0x9000004A  }
0x41: {  	s0 =	sadd.s32 @!p0 $0x100000, s1;
	[bflag:$0x2] =	sbarrier.arrive $0xFFFF  }
0x42: {  	[sflag:s0] =	ssyncadd.tile.s32 @!p0 $0x1;
	_ =	shalt  }
.Lfunc_end1:
_tile_overlayer_lowered:
.L_overlay_start_2:
0x43: {  	(tag) =	ssettag $0x2  }
0x44: {  	s0 =	rddreg [dreg:$0x0];
	s2 =	stileid.u32  }
0x45: {  	s1 =	rddreg [dreg:$0x1];
	p0 =	sne.s32 s2, $0x0  }
0x46: {  	s3 =	rddreg [dreg:$0x2];
	[bflag:$0x3] =	sbarrier.arrive $0xFFFF;
	s2 =	simm.s32 @!p0 $0x1C01  }
0x47: {  	[timem:s3], [sflag:s2] =	dma.local @!p0 [hbm:s0], s1  }
0x48: {  	s0 =	simm.s32 @!p0 $0x1  }
0x49: {  	_ =	swait.ge @!p0 [sflag:s0], s1  }
0x4a: {  	s1 =	ssub.s32 @!p0 $0x0, s1;
	[sflag:s0] =	ssyncset.done @!p0 $0x0  }
0x4b: {  	[sflag:s0] =	ssyncadd.s32 @!p0 s1  }
0x4c: {  	[bflag:$0x3] =	sbarrier.arrive $0xFFFF  }
0x4d: {  	_ =	shalt  }

</sc_bundles>
